<compile_context>
chip_gen: v7x
topology: tpu7x:2x2x1
jax: 0.10.2.dev20260603
libtpu: 0.0.44.dev20260713+nightly
codegen_flags: <defaults>
</compile_context>

<pallas_src>
import functools

import jax
import jax.numpy as jnp
from jax import lax
from jax.experimental import pallas as pl
from jax.experimental.pallas import tpu as pltpu
from jax.experimental.pallas import tpu_sc as plsc

B, H, W = 16, 512, 512
NC, NS, L = 2, 16, 16
NW = NC * NS
ROWS_PER_W = H // 2
RB = 16
NBLK = ROWS_PER_W // RB
VPB = RB * W // L
VPR = W // L


def _dye_body(idx_hbm, cmap_hbm, out_hbm, lut_v,
              idx0, idx1, r0, g0, b0, r1, g1, b1,
              sem_out0, sem_out1):
  wid = lax.axis_index("s") * NC + lax.axis_index("c")
  b = wid // 2
  row_base = (wid % 2) * ROWS_PER_W

  pltpu.sync_copy(cmap_hbm, lut_v)

  slots = (
      (idx0, (r0, g0, b0), sem_out0),
      (idx1, (r1, g1, b1), sem_out1),
  )

  @pl.loop(0, NBLK // 2)
  def _(j):
    for s in (0, 1):
      g = 2 * j + s
      idx_v, outs, sem_out = slots[s]
      pltpu.sync_copy(idx_hbm.at[b, pl.ds(row_base + g * RB, RB), :], idx_v)
      @pl.when(g >= 2)
      def _():
        for ch, buf in enumerate(outs):
          pltpu.make_async_copy(buf, out_hbm.at[b, ch, pl.ds(0, RB), :],
                                sem_out).wait()

      @functools.partial(plsc.parallel_loop, 0, VPB, unroll=8)
      def _(i):
        r = i // VPR
        sl = pl.ds((i % VPR) * L, L)
        iv = idx_v[r, sl]
        for ch, buf in enumerate(outs):
          buf[r, sl] = plsc.load_gather(lut_v, [iv + (ch * 256)])

      row0 = row_base + g * RB
      for ch, buf in enumerate(outs):
        pltpu.async_copy(buf, out_hbm.at[b, ch, pl.ds(row0, RB), :], sem_out)

  for s in (0, 1):
    _, outs, sem_out = slots[s]
    for ch, buf in enumerate(outs):
      pltpu.make_async_copy(buf, out_hbm.at[b, ch, pl.ds(0, RB), :],
                            sem_out).wait()


_dye = functools.partial(
    pl.kernel,
    out_type=jax.ShapeDtypeStruct((B, 3, H, W), jnp.float32),
    mesh=plsc.VectorSubcoreMesh(core_axis_name="c", subcore_axis_name="s"),
    compiler_params=pltpu.CompilerParams(needs_layout_passes=False),
    scratch_types=[
        pltpu.VMEM((768,), jnp.float32),
        pltpu.VMEM((RB, W), jnp.int32),
        pltpu.VMEM((RB, W), jnp.int32),
        pltpu.VMEM((RB, W), jnp.float32),
        pltpu.VMEM((RB, W), jnp.float32),
        pltpu.VMEM((RB, W), jnp.float32),
        pltpu.VMEM((RB, W), jnp.float32),
        pltpu.VMEM((RB, W), jnp.float32),
        pltpu.VMEM((RB, W), jnp.float32),
        pltpu.SemaphoreType.DMA,
        pltpu.SemaphoreType.DMA,
    ],
)(_dye_body)


@jax.jit
def kernel(index_map, colormap):
  idx = index_map.astype(jnp.int32)
  cmap_t = colormap.T.reshape(768).astype(jnp.float32)
  return _dye(idx, cmap_t)

# --- scband reference (transcript-rebuilt; emitter-appended) ---
"""Pipeline reference for scband-index-map-dyeing-32839319945845 (READ-ONLY COPY).

The authoritative reference and input builder live on the scoring server;
editing this copy changes nothing except your own understanding.
"""

import jax, jax.numpy as jnp
import numpy as np


def _jet_colormap(n=256):
    # Standard jet approximation: piecewise-linear ramps in R,G,B over [0,1],
    # matching the 256-entry LUT baked into ColorMap.jet().
    x = np.linspace(0.0, 1.0, n, dtype=np.float32)
    r = np.clip(1.5 - np.abs(4.0 * x - 3.0), 0.0, 1.0)
    g = np.clip(1.5 - np.abs(4.0 * x - 2.0), 0.0, 1.0)
    b = np.clip(1.5 - np.abs(4.0 * x - 1.0), 0.0, 1.0)
    return np.stack([r, g, b], axis=1).astype(np.float32)  # [256, 3]


def setup_inputs(seed: int = 0) -> dict:
    key = jax.random.key(seed)
    index_map = jax.random.randint(key, (16, 512, 512), 0, 256, dtype=jnp.int64)
    colormap = jnp.asarray(_jet_colormap(256))  # learned/buffer LUT [256, 3]
    return {"index_map": index_map, "colormap": colormap}


def reference(index_map, colormap):
    # Dye the integer index map: gather RGB triplets from the colormap LUT.
    # index_map: int64 [B, H, W] with values in [0, 256)
    # colormap:  float32 [256, 3]
    colors = jnp.take(colormap, index_map, axis=0)  # [B, H, W, 3]
    # channels-first image layout, as a torch vision module would emit
    return jnp.transpose(colors, (0, 3, 1, 2))  # [B, 3, H, W]

if __name__ == "__main__":
    import jax
    _d = setup_inputs()
    print(jax.jit(kernel)(*tuple(_d.values())))

</pallas_src>

<mosaic_0001>
#map = affine_map<(d0, d1) -> (0, 0, 0)>
#map1 = affine_map<(d0, d1) -> (0)>
#map2 = affine_map<(d0, d1) -> (0, 0, 0, 0)>
module attributes {stable_mosaic.version = 14 : i64} {
  func.func @_dye_body(%arg0: i32, %arg1: i32, %arg2: memref<16x512x512xi32, #tpu.memory_space<hbm>>, %arg3: memref<768xf32, #tpu.memory_space<hbm>>, %arg4: memref<16x3x512x512xf32, #tpu.memory_space<hbm>>, %arg5: memref<768xf32, #tpu.memory_space<vmem>>, %arg6: memref<16x512xi32, #tpu.memory_space<vmem>>, %arg7: memref<16x512xi32, #tpu.memory_space<vmem>>, %arg8: memref<16x512xf32, #tpu.memory_space<vmem>>, %arg9: memref<16x512xf32, #tpu.memory_space<vmem>>, %arg10: memref<16x512xf32, #tpu.memory_space<vmem>>, %arg11: memref<16x512xf32, #tpu.memory_space<vmem>>, %arg12: memref<16x512xf32, #tpu.memory_space<vmem>>, %arg13: memref<16x512xf32, #tpu.memory_space<vmem>>, %arg14: memref<!tpu.dma_semaphore, #tpu.memory_space<semaphore_mem>>, %arg15: memref<!tpu.dma_semaphore, #tpu.memory_space<semaphore_mem>>) attributes {dimension_semantics = [#tpu.dimension_semantics<core_parallel>, #tpu.dimension_semantics<subcore_parallel>], iteration_bounds = array<i64: 2, 16>, scalar_prefetch = 0 : i64, scratch_operands = 11 : i64, tpu.core_type = #tpu.core_type<sc_vector_subcore>, window_params = [{transform_indices = #map}, {transform_indices = #map1}, {transform_indices = #map2}]} {
    %mul3A = arith.constant 2 : i32
    %mul3A_0 = arith.muli %arg1, %mul3A : i32
    %add3A = arith.addi %mul3A_0, %arg0 : i32
    %jit3A = arith.constant 2 : i32
    %div3A = arith.divsi %add3A, %jit3A : i32
    %sign3A = arith.constant 0 : i32
    %sign3A_1 = arith.cmpi sgt, %add3A, %sign3A : i32
    %sign3A_2 = arith.extui %sign3A_1 : i1 to i32
    %sign3A_3 = arith.constant 0 : i32
    %sign3A_4 = arith.cmpi slt, %add3A, %sign3A_3 : i32
    %sign3A_5 = arith.extui %sign3A_4 : i1 to i32
    %sign3A_6 = arith.subi %sign3A_2, %sign3A_5 : i32
    %sign3A_7 = arith.constant 0 : i32
    %sign3A_8 = arith.cmpi sgt, %jit3A, %sign3A_7 : i32
    %sign3A_9 = arith.extui %sign3A_8 : i1 to i32
    %sign3A_10 = arith.constant 0 : i32
    %sign3A_11 = arith.cmpi slt, %jit3A, %sign3A_10 : i32
    %sign3A_12 = arith.extui %sign3A_11 : i1 to i32
    %sign3A_13 = arith.subi %sign3A_9, %sign3A_12 : i32
    %ne3A = arith.cmpi ne, %sign3A_6, %sign3A_13 : i32
    %rem3A = arith.remsi %add3A, %jit3A : i32
    %ne3A_14 = arith.constant 0 : i32
    %ne3A_15 = arith.cmpi ne, %rem3A, %ne3A_14 : i32
    %and3A = arith.andi %ne3A, %ne3A_15 : i1
    %sub3A = arith.constant 1 : i32
    %sub3A_16 = arith.subi %div3A, %sub3A : i32
    %select_n3A = arith.select %and3A, %sub3A_16, %div3A : i32
    %jit3A_17 = arith.constant 2 : i32
    %eq3A = arith.constant 0 : i32
    %eq3A_18 = arith.cmpi eq, %jit3A_17, %eq3A : i32
    %jit3A_19 = arith.constant 1 : i32
    %select_n3A_20 = arith.select %eq3A_18, %jit3A_19, %jit3A_17 : i32
    %rem3A_21 = arith.remsi %add3A, %select_n3A_20 : i32
    %ne3A_22 = arith.constant 0 : i32
    %ne3A_23 = arith.cmpi ne, %rem3A_21, %ne3A_22 : i32
    %lt3A = arith.constant 0 : i32
    %lt3A_24 = arith.cmpi slt, %rem3A_21, %lt3A : i32
    %lt3A_25 = arith.constant 0 : i32
    %lt3A_26 = arith.cmpi slt, %select_n3A_20, %lt3A_25 : i32
    %ne3A_27 = arith.xori %lt3A_24, %lt3A_26 : i1
    %and3A_28 = arith.andi %ne3A_27, %ne3A_23 : i1
    %add3A_29 = arith.addi %rem3A_21, %select_n3A_20 : i32
    %select_n3A_30 = arith.select %and3A_28, %add3A_29, %rem3A_21 : i32
    %mul3A_31 = arith.constant 256 : i32
    %mul3A_32 = arith.muli %select_n3A_30, %mul3A_31 : i32
    "tpu.region"() ({
      %run_scoped3A = tpu.sem_alloc : memref<!tpu.dma_semaphore, #tpu.memory_space<semaphore_mem>>
      tpu.enqueue_dma source(%arg3 : memref<768xf32, #tpu.memory_space<hbm>>) target(%arg5 : memref<768xf32, #tpu.memory_space<vmem>>) target_semaphore(%run_scoped3A : memref<!tpu.dma_semaphore, #tpu.memory_space<semaphore_mem>>)
      tpu.wait_dma2 semaphore(%run_scoped3A : memref<!tpu.dma_semaphore, #tpu.memory_space<semaphore_mem>>) src(%arg3 : memref<768xf32, #tpu.memory_space<hbm>>) dst(%arg5 : memref<768xf32, #tpu.memory_space<vmem>>)
      tpu.yield
    }) : () -> ()
    %scan3A = arith.constant 0 : i32
    %scan3A_33 = arith.constant 8 : i32
    %scan3A_34 = arith.addi %scan3A, %scan3A_33 : i32
    %scan3A_35 = arith.constant 1 : i32
    scf.for %scan3A_90 = %scan3A to %scan3A_34 step %scan3A_35  : i32 {
      %mul3A_91 = arith.constant 1 : i32
      %mul3A_92 = arith.muli %scan3A_90, %mul3A_91 : i32
      %add3A_93 = arith.constant 0 : i32
      %add3A_94 = arith.addi %add3A_93, %mul3A_92 : i32
      %mul3A_95 = arith.constant 2 : i32
      %mul3A_96 = arith.muli %mul3A_95, %add3A_94 : i32
      %add3A_97 = arith.constant 0 : i32
      %add3A_98 = arith.addi %mul3A_96, %add3A_97 : i32
      %mul3A_99 = arith.constant 16 : i32
      %mul3A_100 = arith.muli %add3A_98, %mul3A_99 : i32
      %add3A_101 = arith.addi %mul3A_32, %mul3A_100 : i32
      "tpu.region"() ({
        %run_scoped3A = tpu.sem_alloc : memref<!tpu.dma_semaphore, #tpu.memory_space<semaphore_mem>>
        %dma_start3A_163 = arith.constant 0 : i32
        %dma_start3A_164 = tpu.memref_slice %arg2[%select_n3A, %add3A_101, %dma_start3A_163] : memref<16x512x512xi32, #tpu.memory_space<hbm>> -> memref<1x16x512xi32, #tpu.memory_space<hbm>>
        %dma_start3A_165 = tpu.memref_squeeze %dma_start3A_164 : memref<1x16x512xi32, #tpu.memory_space<hbm>> -> memref<16x512xi32, #tpu.memory_space<hbm>>
        %dma_start3A_166 = arith.constant 0 : i32
        %dma_start3A_167 = tpu.memref_slice %arg2[%select_n3A, %add3A_101, %dma_start3A_166] : memref<16x512x512xi32, #tpu.memory_space<hbm>> -> memref<1x16x512xi32, #tpu.memory_space<hbm>>
        %dma_start3A_168 = tpu.memref_squeeze %dma_start3A_167 : memref<1x16x512xi32, #tpu.memory_space<hbm>> -> memref<16x512xi32, #tpu.memory_space<hbm>>
        tpu.enqueue_dma source(%dma_start3A_168 : memref<16x512xi32, #tpu.memory_space<hbm>>) target(%arg6 : memref<16x512xi32, #tpu.memory_space<vmem>>) target_semaphore(%run_scoped3A : memref<!tpu.dma_semaphore, #tpu.memory_space<semaphore_mem>>)
        %dma_wait3A_169 = arith.constant 0 : i32
        %dma_wait3A_170 = tpu.memref_slice %arg2[%select_n3A, %add3A_101, %dma_wait3A_169] : memref<16x512x512xi32, #tpu.memory_space<hbm>> -> memref<1x16x512xi32, #tpu.memory_space<hbm>>
        %dma_wait3A_171 = tpu.memref_squeeze %dma_wait3A_170 : memref<1x16x512xi32, #tpu.memory_space<hbm>> -> memref<16x512xi32, #tpu.memory_space<hbm>>
        %dma_wait3A_172 = arith.constant 0 : i32
        %dma_wait3A_173 = tpu.memref_slice %arg2[%select_n3A, %add3A_101, %dma_wait3A_172] : memref<16x512x512xi32, #tpu.memory_space<hbm>> -> memref<1x16x512xi32, #tpu.memory_space<hbm>>
        %dma_wait3A_174 = tpu.memref_squeeze %dma_wait3A_173 : memref<1x16x512xi32, #tpu.memory_space<hbm>> -> memref<16x512xi32, #tpu.memory_space<hbm>>
        tpu.wait_dma2 semaphore(%run_scoped3A : memref<!tpu.dma_semaphore, #tpu.memory_space<semaphore_mem>>) src(%dma_wait3A_174 : memref<16x512xi32, #tpu.memory_space<hbm>>) dst(%arg6 : memref<16x512xi32, #tpu.memory_space<vmem>>)
        tpu.yield
      }) : () -> ()
      %ge3A = arith.constant 2 : i32
      %ge3A_102 = arith.cmpi sge, %add3A_98, %ge3A : i32
      %convert_element_type3A = arith.extui %ge3A_102 : i1 to i32
      %cond3A = arith.constant 0 : i32
      %cond3A_103 = arith.cmpi ne, %convert_element_type3A, %cond3A : i32
      scf.if %cond3A_103 {
        %dma_wait3A_163 = arith.constant 0 : i32
        %dma_wait3A_164 = arith.constant 0 : i32
        %dma_wait3A_165 = arith.constant 0 : i32
        %dma_wait3A_166 = tpu.memref_slice %arg4[%select_n3A, %dma_wait3A_163, %dma_wait3A_164, %dma_wait3A_165] : memref<16x3x512x512xf32, #tpu.memory_space<hbm>> -> memref<1x1x16x512xf32, #tpu.memory_space<hbm>>
        %dma_wait3A_167 = tpu.memref_squeeze %dma_wait3A_166 : memref<1x1x16x512xf32, #tpu.memory_space<hbm>> -> memref<16x512xf32, #tpu.memory_space<hbm>>
        %dma_wait3A_168 = arith.constant 0 : i32
        %dma_wait3A_169 = arith.constant 0 : i32
        %dma_wait3A_170 = tpu.memref_slice %arg4[%select_n3A, %dma_wait3A_163, %dma_wait3A_168, %dma_wait3A_169] : memref<16x3x512x512xf32, #tpu.memory_space<hbm>> -> memref<1x1x16x512xf32, #tpu.memory_space<hbm>>
        %dma_wait3A_171 = tpu.memref_squeeze %dma_wait3A_170 : memref<1x1x16x512xf32, #tpu.memory_space<hbm>> -> memref<16x512xf32, #tpu.memory_space<hbm>>
        tpu.wait_dma2 semaphore(%arg14 : memref<!tpu.dma_semaphore, #tpu.memory_space<semaphore_mem>>) src(%arg8 : memref<16x512xf32, #tpu.memory_space<vmem>>) dst(%dma_wait3A_171 : memref<16x512xf32, #tpu.memory_space<hbm>>)
        %dma_wait3A_172 = arith.constant 1 : i32
        %dma_wait3A_173 = arith.constant 0 : i32
        %dma_wait3A_174 = arith.constant 0 : i32
        %dma_wait3A_175 = tpu.memref_slice %arg4[%select_n3A, %dma_wait3A_172, %dma_wait3A_173, %dma_wait3A_174] : memref<16x3x512x512xf32, #tpu.memory_space<hbm>> -> memref<1x1x16x512xf32, #tpu.memory_space<hbm>>
        %dma_wait3A_176 = tpu.memref_squeeze %dma_wait3A_175 : memref<1x1x16x512xf32, #tpu.memory_space<hbm>> -> memref<16x512xf32, #tpu.memory_space<hbm>>
        %dma_wait3A_177 = arith.constant 0 : i32
        %dma_wait3A_178 = arith.constant 0 : i32
        %dma_wait3A_179 = tpu.memref_slice %arg4[%select_n3A, %dma_wait3A_172, %dma_wait3A_177, %dma_wait3A_178] : memref<16x3x512x512xf32, #tpu.memory_space<hbm>> -> memref<1x1x16x512xf32, #tpu.memory_space<hbm>>
        %dma_wait3A_180 = tpu.memref_squeeze %dma_wait3A_179 : memref<1x1x16x512xf32, #tpu.memory_space<hbm>> -> memref<16x512xf32, #tpu.memory_space<hbm>>
        tpu.wait_dma2 semaphore(%arg14 : memref<!tpu.dma_semaphore, #tpu.memory_space<semaphore_mem>>) src(%arg9 : memref<16x512xf32, #tpu.memory_space<vmem>>) dst(%dma_wait3A_180 : memref<16x512xf32, #tpu.memory_space<hbm>>)
        %dma_wait3A_181 = arith.constant 2 : i32
        %dma_wait3A_182 = arith.constant 0 : i32
        %dma_wait3A_183 = arith.constant 0 : i32
        %dma_wait3A_184 = tpu.memref_slice %arg4[%select_n3A, %dma_wait3A_181, %dma_wait3A_182, %dma_wait3A_183] : memref<16x3x512x512xf32, #tpu.memory_space<hbm>> -> memref<1x1x16x512xf32, #tpu.memory_space<hbm>>
        %dma_wait3A_185 = tpu.memref_squeeze %dma_wait3A_184 : memref<1x1x16x512xf32, #tpu.memory_space<hbm>> -> memref<16x512xf32, #tpu.memory_space<hbm>>
        %dma_wait3A_186 = arith.constant 0 : i32
        %dma_wait3A_187 = arith.constant 0 : i32
        %dma_wait3A_188 = tpu.memref_slice %arg4[%select_n3A, %dma_wait3A_181, %dma_wait3A_186, %dma_wait3A_187] : memref<16x3x512x512xf32, #tpu.memory_space<hbm>> -> memref<1x1x16x512xf32, #tpu.memory_space<hbm>>
        %dma_wait3A_189 = tpu.memref_squeeze %dma_wait3A_188 : memref<1x1x16x512xf32, #tpu.memory_space<hbm>> -> memref<16x512xf32, #tpu.memory_space<hbm>>
        tpu.wait_dma2 semaphore(%arg14 : memref<!tpu.dma_semaphore, #tpu.memory_space<semaphore_mem>>) src(%arg10 : memref<16x512xf32, #tpu.memory_space<vmem>>) dst(%dma_wait3A_189 : memref<16x512xf32, #tpu.memory_space<hbm>>)
      } else {
      }
      %mul3A_104 = arith.constant 16 : i32
      %mul3A_105 = arith.muli %add3A_98, %mul3A_104 : i32
      %add3A_106 = arith.addi %mul3A_32, %mul3A_105 : i32
      %dma_start3A = arith.constant 0 : i32
      %dma_start3A_107 = arith.constant 0 : i32
      %dma_start3A_108 = tpu.memref_slice %arg4[%select_n3A, %dma_start3A, %add3A_106, %dma_start3A_107] : memref<16x3x512x512xf32, #tpu.memory_space<hbm>> -> memref<1x1x16x512xf32, #tpu.memory_space<hbm>>
      %dma_start3A_109 = tpu.memref_squeeze %dma_start3A_108 : memref<1x1x16x512xf32, #tpu.memory_space<hbm>> -> memref<16x512xf32, #tpu.memory_space<hbm>>
      %dma_start3A_110 = arith.constant 0 : i32
      %dma_start3A_111 = tpu.memref_slice %arg4[%select_n3A, %dma_start3A, %add3A_106, %dma_start3A_110] : memref<16x3x512x512xf32, #tpu.memory_space<hbm>> -> memref<1x1x16x512xf32, #tpu.memory_space<hbm>>
      %dma_start3A_112 = tpu.memref_squeeze %dma_start3A_111 : memref<1x1x16x512xf32, #tpu.memory_space<hbm>> -> memref<16x512xf32, #tpu.memory_space<hbm>>
      tpu.enqueue_dma source(%arg8 : memref<16x512xf32, #tpu.memory_space<vmem>>) target(%dma_start3A_112 : memref<16x512xf32, #tpu.memory_space<hbm>>) target_semaphore(%arg14 : memref<!tpu.dma_semaphore, #tpu.memory_space<semaphore_mem>>)
      %dma_start3A_113 = arith.constant 1 : i32
      %dma_start3A_114 = arith.constant 0 : i32
      %dma_start3A_115 = tpu.memref_slice %arg4[%select_n3A, %dma_start3A_113, %add3A_106, %dma_start3A_114] : memref<16x3x512x512xf32, #tpu.memory_space<hbm>> -> memref<1x1x16x512xf32, #tpu.memory_space<hbm>>
      %dma_start3A_116 = tpu.memref_squeeze %dma_start3A_115 : memref<1x1x16x512xf32, #tpu.memory_space<hbm>> -> memref<16x512xf32, #tpu.memory_space<hbm>>
      %dma_start3A_117 = arith.constant 0 : i32
      %dma_start3A_118 = tpu.memref_slice %arg4[%select_n3A, %dma_start3A_113, %add3A_106, %dma_start3A_117] : memref<16x3x512x512xf32, #tpu.memory_space<hbm>> -> memref<1x1x16x512xf32, #tpu.memory_space<hbm>>
      %dma_start3A_119 = tpu.memref_squeeze %dma_start3A_118 : memref<1x1x16x512xf32, #tpu.memory_space<hbm>> -> memref<16x512xf32, #tpu.memory_space<hbm>>
      tpu.enqueue_dma source(%arg9 : memref<16x512xf32, #tpu.memory_space<vmem>>) target(%dma_start3A_119 : memref<16x512xf32, #tpu.memory_space<hbm>>) target_semaphore(%arg14 : memref<!tpu.dma_semaphore, #tpu.memory_space<semaphore_mem>>)
      %dma_start3A_120 = arith.constant 2 : i32
      %dma_start3A_121 = arith.constant 0 : i32
      %dma_start3A_122 = tpu.memref_slice %arg4[%select_n3A, %dma_start3A_120, %add3A_106, %dma_start3A_121] : memref<16x3x512x512xf32, #tpu.memory_space<hbm>> -> memref<1x1x16x512xf32, #tpu.memory_space<hbm>>
      %dma_start3A_123 = tpu.memref_squeeze %dma_start3A_122 : memref<1x1x16x512xf32, #tpu.memory_space<hbm>> -> memref<16x512xf32, #tpu.memory_space<hbm>>
      %dma_start3A_124 = arith.constant 0 : i32
      %dma_start3A_125 = tpu.memref_slice %arg4[%select_n3A, %dma_start3A_120, %add3A_106, %dma_start3A_124] : memref<16x3x512x512xf32, #tpu.memory_space<hbm>> -> memref<1x1x16x512xf32, #tpu.memory_space<hbm>>
      %dma_start3A_126 = tpu.memref_squeeze %dma_start3A_125 : memref<1x1x16x512xf32, #tpu.memory_space<hbm>> -> memref<16x512xf32, #tpu.memory_space<hbm>>
      tpu.enqueue_dma source(%arg10 : memref<16x512xf32, #tpu.memory_space<vmem>>) target(%dma_start3A_126 : memref<16x512xf32, #tpu.memory_space<hbm>>) target_semaphore(%arg14 : memref<!tpu.dma_semaphore, #tpu.memory_space<semaphore_mem>>)
      %mul3A_127 = arith.constant 2 : i32
      %mul3A_128 = arith.muli %mul3A_127, %add3A_94 : i32
      %add3A_129 = arith.constant 1 : i32
      %add3A_130 = arith.addi %mul3A_128, %add3A_129 : i32
      %mul3A_131 = arith.constant 16 : i32
      %mul3A_132 = arith.muli %add3A_130, %mul3A_131 : i32
      %add3A_133 = arith.addi %mul3A_32, %mul3A_132 : i32
      "tpu.region"() ({
        %run_scoped3A = tpu.sem_alloc : memref<!tpu.dma_semaphore, #tpu.memory_space<semaphore_mem>>
        %dma_start3A_163 = arith.constant 0 : i32
        %dma_start3A_164 = tpu.memref_slice %arg2[%select_n3A, %add3A_133, %dma_start3A_163] : memref<16x512x512xi32, #tpu.memory_space<hbm>> -> memref<1x16x512xi32, #tpu.memory_space<hbm>>
        %dma_start3A_165 = tpu.memref_squeeze %dma_start3A_164 : memref<1x16x512xi32, #tpu.memory_space<hbm>> -> memref<16x512xi32, #tpu.memory_space<hbm>>
        %dma_start3A_166 = arith.constant 0 : i32
        %dma_start3A_167 = tpu.memref_slice %arg2[%select_n3A, %add3A_133, %dma_start3A_166] : memref<16x512x512xi32, #tpu.memory_space<hbm>> -> memref<1x16x512xi32, #tpu.memory_space<hbm>>
        %dma_start3A_168 = tpu.memref_squeeze %dma_start3A_167 : memref<1x16x512xi32, #tpu.memory_space<hbm>> -> memref<16x512xi32, #tpu.memory_space<hbm>>
        tpu.enqueue_dma source(%dma_start3A_168 : memref<16x512xi32, #tpu.memory_space<hbm>>) target(%arg7 : memref<16x512xi32, #tpu.memory_space<vmem>>) target_semaphore(%run_scoped3A : memref<!tpu.dma_semaphore, #tpu.memory_space<semaphore_mem>>)
        %dma_wait3A_169 = arith.constant 0 : i32
        %dma_wait3A_170 = tpu.memref_slice %arg2[%select_n3A, %add3A_133, %dma_wait3A_169] : memref<16x512x512xi32, #tpu.memory_space<hbm>> -> memref<1x16x512xi32, #tpu.memory_space<hbm>>
        %dma_wait3A_171 = tpu.memref_squeeze %dma_wait3A_170 : memref<1x16x512xi32, #tpu.memory_space<hbm>> -> memref<16x512xi32, #tpu.memory_space<hbm>>
        %dma_wait3A_172 = arith.constant 0 : i32
        %dma_wait3A_173 = tpu.memref_slice %arg2[%select_n3A, %add3A_133, %dma_wait3A_172] : memref<16x512x512xi32, #tpu.memory_space<hbm>> -> memref<1x16x512xi32, #tpu.memory_space<hbm>>
        %dma_wait3A_174 = tpu.memref_squeeze %dma_wait3A_173 : memref<1x16x512xi32, #tpu.memory_space<hbm>> -> memref<16x512xi32, #tpu.memory_space<hbm>>
        tpu.wait_dma2 semaphore(%run_scoped3A : memref<!tpu.dma_semaphore, #tpu.memory_space<semaphore_mem>>) src(%dma_wait3A_174 : memref<16x512xi32, #tpu.memory_space<hbm>>) dst(%arg7 : memref<16x512xi32, #tpu.memory_space<vmem>>)
        tpu.yield
      }) : () -> ()
      %ge3A_134 = arith.constant 2 : i32
      %ge3A_135 = arith.cmpi sge, %add3A_130, %ge3A_134 : i32
      %convert_element_type3A_136 = arith.extui %ge3A_135 : i1 to i32
      %cond3A_137 = arith.constant 0 : i32
      %cond3A_138 = arith.cmpi ne, %convert_element_type3A_136, %cond3A_137 : i32
      scf.if %cond3A_138 {
        %dma_wait3A_163 = arith.constant 0 : i32
        %dma_wait3A_164 = arith.constant 0 : i32
        %dma_wait3A_165 = arith.constant 0 : i32
        %dma_wait3A_166 = tpu.memref_slice %arg4[%select_n3A, %dma_wait3A_163, %dma_wait3A_164, %dma_wait3A_165] : memref<16x3x512x512xf32, #tpu.memory_space<hbm>> -> memref<1x1x16x512xf32, #tpu.memory_space<hbm>>
        %dma_wait3A_167 = tpu.memref_squeeze %dma_wait3A_166 : memref<1x1x16x512xf32, #tpu.memory_space<hbm>> -> memref<16x512xf32, #tpu.memory_space<hbm>>
        %dma_wait3A_168 = arith.constant 0 : i32
        %dma_wait3A_169 = arith.constant 0 : i32
        %dma_wait3A_170 = tpu.memref_slice %arg4[%select_n3A, %dma_wait3A_163, %dma_wait3A_168, %dma_wait3A_169] : memref<16x3x512x512xf32, #tpu.memory_space<hbm>> -> memref<1x1x16x512xf32, #tpu.memory_space<hbm>>
        %dma_wait3A_171 = tpu.memref_squeeze %dma_wait3A_170 : memref<1x1x16x512xf32, #tpu.memory_space<hbm>> -> memref<16x512xf32, #tpu.memory_space<hbm>>
        tpu.wait_dma2 semaphore(%arg15 : memref<!tpu.dma_semaphore, #tpu.memory_space<semaphore_mem>>) src(%arg11 : memref<16x512xf32, #tpu.memory_space<vmem>>) dst(%dma_wait3A_171 : memref<16x512xf32, #tpu.memory_space<hbm>>)
        %dma_wait3A_172 = arith.constant 1 : i32
        %dma_wait3A_173 = arith.constant 0 : i32
        %dma_wait3A_174 = arith.constant 0 : i32
        %dma_wait3A_175 = tpu.memref_slice %arg4[%select_n3A, %dma_wait3A_172, %dma_wait3A_173, %dma_wait3A_174] : memref<16x3x512x512xf32, #tpu.memory_space<hbm>> -> memref<1x1x16x512xf32, #tpu.memory_space<hbm>>
        %dma_wait3A_176 = tpu.memref_squeeze %dma_wait3A_175 : memref<1x1x16x512xf32, #tpu.memory_space<hbm>> -> memref<16x512xf32, #tpu.memory_space<hbm>>
        %dma_wait3A_177 = arith.constant 0 : i32
        %dma_wait3A_178 = arith.constant 0 : i32
        %dma_wait3A_179 = tpu.memref_slice %arg4[%select_n3A, %dma_wait3A_172, %dma_wait3A_177, %dma_wait3A_178] : memref<16x3x512x512xf32, #tpu.memory_space<hbm>> -> memref<1x1x16x512xf32, #tpu.memory_space<hbm>>
        %dma_wait3A_180 = tpu.memref_squeeze %dma_wait3A_179 : memref<1x1x16x512xf32, #tpu.memory_space<hbm>> -> memref<16x512xf32, #tpu.memory_space<hbm>>
        tpu.wait_dma2 semaphore(%arg15 : memref<!tpu.dma_semaphore, #tpu.memory_space<semaphore_mem>>) src(%arg12 : memref<16x512xf32, #tpu.memory_space<vmem>>) dst(%dma_wait3A_180 : memref<16x512xf32, #tpu.memory_space<hbm>>)
        %dma_wait3A_181 = arith.constant 2 : i32
        %dma_wait3A_182 = arith.constant 0 : i32
        %dma_wait3A_183 = arith.constant 0 : i32
        %dma_wait3A_184 = tpu.memref_slice %arg4[%select_n3A, %dma_wait3A_181, %dma_wait3A_182, %dma_wait3A_183] : memref<16x3x512x512xf32, #tpu.memory_space<hbm>> -> memref<1x1x16x512xf32, #tpu.memory_space<hbm>>
        %dma_wait3A_185 = tpu.memref_squeeze %dma_wait3A_184 : memref<1x1x16x512xf32, #tpu.memory_space<hbm>> -> memref<16x512xf32, #tpu.memory_space<hbm>>
        %dma_wait3A_186 = arith.constant 0 : i32
        %dma_wait3A_187 = arith.constant 0 : i32
        %dma_wait3A_188 = tpu.memref_slice %arg4[%select_n3A, %dma_wait3A_181, %dma_wait3A_186, %dma_wait3A_187] : memref<16x3x512x512xf32, #tpu.memory_space<hbm>> -> memref<1x1x16x512xf32, #tpu.memory_space<hbm>>
        %dma_wait3A_189 = tpu.memref_squeeze %dma_wait3A_188 : memref<1x1x16x512xf32, #tpu.memory_space<hbm>> -> memref<16x512xf32, #tpu.memory_space<hbm>>
        tpu.wait_dma2 semaphore(%arg15 : memref<!tpu.dma_semaphore, #tpu.memory_space<semaphore_mem>>) src(%arg13 : memref<16x512xf32, #tpu.memory_space<vmem>>) dst(%dma_wait3A_189 : memref<16x512xf32, #tpu.memory_space<hbm>>)
      } else {
      }
      %mul3A_139 = arith.constant 16 : i32
      %mul3A_140 = arith.muli %add3A_130, %mul3A_139 : i32
      %add3A_141 = arith.addi %mul3A_32, %mul3A_140 : i32
      %dma_start3A_142 = arith.constant 0 : i32
      %dma_start3A_143 = arith.constant 0 : i32
      %dma_start3A_144 = tpu.memref_slice %arg4[%select_n3A, %dma_start3A_142, %add3A_141, %dma_start3A_143] : memref<16x3x512x512xf32, #tpu.memory_space<hbm>> -> memref<1x1x16x512xf32, #tpu.memory_space<hbm>>
      %dma_start3A_145 = tpu.memref_squeeze %dma_start3A_144 : memref<1x1x16x512xf32, #tpu.memory_space<hbm>> -> memref<16x512xf32, #tpu.memory_space<hbm>>
      %dma_start3A_146 = arith.constant 0 : i32
      %dma_start3A_147 = tpu.memref_slice %arg4[%select_n3A, %dma_start3A_142, %add3A_141, %dma_start3A_146] : memref<16x3x512x512xf32, #tpu.memory_space<hbm>> -> memref<1x1x16x512xf32, #tpu.memory_space<hbm>>
      %dma_start3A_148 = tpu.memref_squeeze %dma_start3A_147 : memref<1x1x16x512xf32, #tpu.memory_space<hbm>> -> memref<16x512xf32, #tpu.memory_space<hbm>>
      tpu.enqueue_dma source(%arg11 : memref<16x512xf32, #tpu.memory_space<vmem>>) target(%dma_start3A_148 : memref<16x512xf32, #tpu.memory_space<hbm>>) target_semaphore(%arg15 : memref<!tpu.dma_semaphore, #tpu.memory_space<semaphore_mem>>)
      %dma_start3A_149 = arith.constant 1 : i32
      %dma_start3A_150 = arith.constant 0 : i32
      %dma_start3A_151 = tpu.memref_slice %arg4[%select_n3A, %dma_start3A_149, %add3A_141, %dma_start3A_150] : memref<16x3x512x512xf32, #tpu.memory_space<hbm>> -> memref<1x1x16x512xf32, #tpu.memory_space<hbm>>
      %dma_start3A_152 = tpu.memref_squeeze %dma_start3A_151 : memref<1x1x16x512xf32, #tpu.memory_space<hbm>> -> memref<16x512xf32, #tpu.memory_space<hbm>>
      %dma_start3A_153 = arith.constant 0 : i32
      %dma_start3A_154 = tpu.memref_slice %arg4[%select_n3A, %dma_start3A_149, %add3A_141, %dma_start3A_153] : memref<16x3x512x512xf32, #tpu.memory_space<hbm>> -> memref<1x1x16x512xf32, #tpu.memory_space<hbm>>
      %dma_start3A_155 = tpu.memref_squeeze %dma_start3A_154 : memref<1x1x16x512xf32, #tpu.memory_space<hbm>> -> memref<16x512xf32, #tpu.memory_space<hbm>>
      tpu.enqueue_dma source(%arg12 : memref<16x512xf32, #tpu.memory_space<vmem>>) target(%dma_start3A_155 : memref<16x512xf32, #tpu.memory_space<hbm>>) target_semaphore(%arg15 : memref<!tpu.dma_semaphore, #tpu.memory_space<semaphore_mem>>)
      %dma_start3A_156 = arith.constant 2 : i32
      %dma_start3A_157 = arith.constant 0 : i32
      %dma_start3A_158 = tpu.memref_slice %arg4[%select_n3A, %dma_start3A_156, %add3A_141, %dma_start3A_157] : memref<16x3x512x512xf32, #tpu.memory_space<hbm>> -> memref<1x1x16x512xf32, #tpu.memory_space<hbm>>
      %dma_start3A_159 = tpu.memref_squeeze %dma_start3A_158 : memref<1x1x16x512xf32, #tpu.memory_space<hbm>> -> memref<16x512xf32, #tpu.memory_space<hbm>>
      %dma_start3A_160 = arith.constant 0 : i32
      %dma_start3A_161 = tpu.memref_slice %arg4[%select_n3A, %dma_start3A_156, %add3A_141, %dma_start3A_160] : memref<16x3x512x512xf32, #tpu.memory_space<hbm>> -> memref<1x1x16x512xf32, #tpu.memory_space<hbm>>
      %dma_start3A_162 = tpu.memref_squeeze %dma_start3A_161 : memref<1x1x16x512xf32, #tpu.memory_space<hbm>> -> memref<16x512xf32, #tpu.memory_space<hbm>>
      tpu.enqueue_dma source(%arg13 : memref<16x512xf32, #tpu.memory_space<vmem>>) target(%dma_start3A_162 : memref<16x512xf32, #tpu.memory_space<hbm>>) target_semaphore(%arg15 : memref<!tpu.dma_semaphore, #tpu.memory_space<semaphore_mem>>)
    }
    %scan3A_36 = arith.constant 8 : i32
    %dma_wait3A = arith.constant 0 : i32
    %dma_wait3A_37 = arith.constant 0 : i32
    %dma_wait3A_38 = arith.constant 0 : i32
    %dma_wait3A_39 = tpu.memref_slice %arg4[%select_n3A, %dma_wait3A, %dma_wait3A_37, %dma_wait3A_38] : memref<16x3x512x512xf32, #tpu.memory_space<hbm>> -> memref<1x1x16x512xf32, #tpu.memory_space<hbm>>
    %dma_wait3A_40 = tpu.memref_squeeze %dma_wait3A_39 : memref<1x1x16x512xf32, #tpu.memory_space<hbm>> -> memref<16x512xf32, #tpu.memory_space<hbm>>
    %dma_wait3A_41 = arith.constant 0 : i32
    %dma_wait3A_42 = arith.constant 0 : i32
    %dma_wait3A_43 = tpu.memref_slice %arg4[%select_n3A, %dma_wait3A, %dma_wait3A_41, %dma_wait3A_42] : memref<16x3x512x512xf32, #tpu.memory_space<hbm>> -> memref<1x1x16x512xf32, #tpu.memory_space<hbm>>
    %dma_wait3A_44 = tpu.memref_squeeze %dma_wait3A_43 : memref<1x1x16x512xf32, #tpu.memory_space<hbm>> -> memref<16x512xf32, #tpu.memory_space<hbm>>
    tpu.wait_dma2 semaphore(%arg14 : memref<!tpu.dma_semaphore, #tpu.memory_space<semaphore_mem>>) src(%arg8 : memref<16x512xf32, #tpu.memory_space<vmem>>) dst(%dma_wait3A_44 : memref<16x512xf32, #tpu.memory_space<hbm>>)
    %dma_wait3A_45 = arith.constant 1 : i32
    %dma_wait3A_46 = arith.constant 0 : i32
    %dma_wait3A_47 = arith.constant 0 : i32
    %dma_wait3A_48 = tpu.memref_slice %arg4[%select_n3A, %dma_wait3A_45, %dma_wait3A_46, %dma_wait3A_47] : memref<16x3x512x512xf32, #tpu.memory_space<hbm>> -> memref<1x1x16x512xf32, #tpu.memory_space<hbm>>
    %dma_wait3A_49 = tpu.memref_squeeze %dma_wait3A_48 : memref<1x1x16x512xf32, #tpu.memory_space<hbm>> -> memref<16x512xf32, #tpu.memory_space<hbm>>
    %dma_wait3A_50 = arith.constant 0 : i32
    %dma_wait3A_51 = arith.constant 0 : i32
    %dma_wait3A_52 = tpu.memref_slice %arg4[%select_n3A, %dma_wait3A_45, %dma_wait3A_50, %dma_wait3A_51] : memref<16x3x512x512xf32, #tpu.memory_space<hbm>> -> memref<1x1x16x512xf32, #tpu.memory_space<hbm>>
    %dma_wait3A_53 = tpu.memref_squeeze %dma_wait3A_52 : memref<1x1x16x512xf32, #tpu.memory_space<hbm>> -> memref<16x512xf32, #tpu.memory_space<hbm>>
    tpu.wait_dma2 semaphore(%arg14 : memref<!tpu.dma_semaphore, #tpu.memory_space<semaphore_mem>>) src(%arg9 : memref<16x512xf32, #tpu.memory_space<vmem>>) dst(%dma_wait3A_53 : memref<16x512xf32, #tpu.memory_space<hbm>>)
    %dma_wait3A_54 = arith.constant 2 : i32
    %dma_wait3A_55 = arith.constant 0 : i32
    %dma_wait3A_56 = arith.constant 0 : i32
    %dma_wait3A_57 = tpu.memref_slice %arg4[%select_n3A, %dma_wait3A_54, %dma_wait3A_55, %dma_wait3A_56] : memref<16x3x512x512xf32, #tpu.memory_space<hbm>> -> memref<1x1x16x512xf32, #tpu.memory_space<hbm>>
    %dma_wait3A_58 = tpu.memref_squeeze %dma_wait3A_57 : memref<1x1x16x512xf32, #tpu.memory_space<hbm>> -> memref<16x512xf32, #tpu.memory_space<hbm>>
    %dma_wait3A_59 = arith.constant 0 : i32
    %dma_wait3A_60 = arith.constant 0 : i32
    %dma_wait3A_61 = tpu.memref_slice %arg4[%select_n3A, %dma_wait3A_54, %dma_wait3A_59, %dma_wait3A_60] : memref<16x3x512x512xf32, #tpu.memory_space<hbm>> -> memref<1x1x16x512xf32, #tpu.memory_space<hbm>>
    %dma_wait3A_62 = tpu.memref_squeeze %dma_wait3A_61 : memref<1x1x16x512xf32, #tpu.memory_space<hbm>> -> memref<16x512xf32, #tpu.memory_space<hbm>>
    tpu.wait_dma2 semaphore(%arg14 : memref<!tpu.dma_semaphore, #tpu.memory_space<semaphore_mem>>) src(%arg10 : memref<16x512xf32, #tpu.memory_space<vmem>>) dst(%dma_wait3A_62 : memref<16x512xf32, #tpu.memory_space<hbm>>)
    %dma_wait3A_63 = arith.constant 0 : i32
    %dma_wait3A_64 = arith.constant 0 : i32
    %dma_wait3A_65 = arith.constant 0 : i32
    %dma_wait3A_66 = tpu.memref_slice %arg4[%select_n3A, %dma_wait3A_63, %dma_wait3A_64, %dma_wait3A_65] : memref<16x3x512x512xf32, #tpu.memory_space<hbm>> -> memref<1x1x16x512xf32, #tpu.memory_space<hbm>>
    %dma_wait3A_67 = tpu.memref_squeeze %dma_wait3A_66 : memref<1x1x16x512xf32, #tpu.memory_space<hbm>> -> memref<16x512xf32, #tpu.memory_space<hbm>>
    %dma_wait3A_68 = arith.constant 0 : i32
    %dma_wait3A_69 = arith.constant 0 : i32
    %dma_wait3A_70 = tpu.memref_slice %arg4[%select_n3A, %dma_wait3A_63, %dma_wait3A_68, %dma_wait3A_69] : memref<16x3x512x512xf32, #tpu.memory_space<hbm>> -> memref<1x1x16x512xf32, #tpu.memory_space<hbm>>
    %dma_wait3A_71 = tpu.memref_squeeze %dma_wait3A_70 : memref<1x1x16x512xf32, #tpu.memory_space<hbm>> -> memref<16x512xf32, #tpu.memory_space<hbm>>
    tpu.wait_dma2 semaphore(%arg15 : memref<!tpu.dma_semaphore, #tpu.memory_space<semaphore_mem>>) src(%arg11 : memref<16x512xf32, #tpu.memory_space<vmem>>) dst(%dma_wait3A_71 : memref<16x512xf32, #tpu.memory_space<hbm>>)
    %dma_wait3A_72 = arith.constant 1 : i32
    %dma_wait3A_73 = arith.constant 0 : i32
    %dma_wait3A_74 = arith.constant 0 : i32
    %dma_wait3A_75 = tpu.memref_slice %arg4[%select_n3A, %dma_wait3A_72, %dma_wait3A_73, %dma_wait3A_74] : memref<16x3x512x512xf32, #tpu.memory_space<hbm>> -> memref<1x1x16x512xf32, #tpu.memory_space<hbm>>
    %dma_wait3A_76 = tpu.memref_squeeze %dma_wait3A_75 : memref<1x1x16x512xf32, #tpu.memory_space<hbm>> -> memref<16x512xf32, #tpu.memory_space<hbm>>
    %dma_wait3A_77 = arith.constant 0 : i32
    %dma_wait3A_78 = arith.constant 0 : i32
    %dma_wait3A_79 = tpu.memref_slice %arg4[%select_n3A, %dma_wait3A_72, %dma_wait3A_77, %dma_wait3A_78] : memref<16x3x512x512xf32, #tpu.memory_space<hbm>> -> memref<1x1x16x512xf32, #tpu.memory_space<hbm>>
    %dma_wait3A_80 = tpu.memref_squeeze %dma_wait3A_79 : memref<1x1x16x512xf32, #tpu.memory_space<hbm>> -> memref<16x512xf32, #tpu.memory_space<hbm>>
    tpu.wait_dma2 semaphore(%arg15 : memref<!tpu.dma_semaphore, #tpu.memory_space<semaphore_mem>>) src(%arg12 : memref<16x512xf32, #tpu.memory_space<vmem>>) dst(%dma_wait3A_80 : memref<16x512xf32, #tpu.memory_space<hbm>>)
    %dma_wait3A_81 = arith.constant 2 : i32
    %dma_wait3A_82 = arith.constant 0 : i32
    %dma_wait3A_83 = arith.constant 0 : i32
    %dma_wait3A_84 = tpu.memref_slice %arg4[%select_n3A, %dma_wait3A_81, %dma_wait3A_82, %dma_wait3A_83] : memref<16x3x512x512xf32, #tpu.memory_space<hbm>> -> memref<1x1x16x512xf32, #tpu.memory_space<hbm>>
    %dma_wait3A_85 = tpu.memref_squeeze %dma_wait3A_84 : memref<1x1x16x512xf32, #tpu.memory_space<hbm>> -> memref<16x512xf32, #tpu.memory_space<hbm>>
    %dma_wait3A_86 = arith.constant 0 : i32
    %dma_wait3A_87 = arith.constant 0 : i32
    %dma_wait3A_88 = tpu.memref_slice %arg4[%select_n3A, %dma_wait3A_81, %dma_wait3A_86, %dma_wait3A_87] : memref<16x3x512x512xf32, #tpu.memory_space<hbm>> -> memref<1x1x16x512xf32, #tpu.memory_space<hbm>>
    %dma_wait3A_89 = tpu.memref_squeeze %dma_wait3A_88 : memref<1x1x16x512xf32, #tpu.memory_space<hbm>> -> memref<16x512xf32, #tpu.memory_space<hbm>>
    tpu.wait_dma2 semaphore(%arg15 : memref<!tpu.dma_semaphore, #tpu.memory_space<semaphore_mem>>) src(%arg13 : memref<16x512xf32, #tpu.memory_space<vmem>>) dst(%dma_wait3A_89 : memref<16x512xf32, #tpu.memory_space<hbm>>)
    return
  }
}

</mosaic_0001>

<sc_bundles>
// kernel: kernel.3.cloned.1.call-start
scs
__scs_entry_jumppad:
0x0: {  	(pc) =	sbr.rel $0x88, $3  }
0x1: {  	(tag) =	ssettag $0x0;
	lr =	simm.s32 $0x1  }
0x2: {  	[smem:$0x3F9F] =	sst lr;
	_ =	strace $0xD0000000  }
0x3: {  	_ = 	snop  }
0x4: {  	_ = 	snop  }
0x5: {  	_ = 	snop  }
0x6: {  	_ = 	snop  }
0x7: {  	_ = 	snop  }
__scs_overlays_trampoline_lowered:
0x8: {  	[smem:$0x3FAE] =	sst s0  }
0x9: {  	[smem:$0x3FAF] =	sst s1  }
0xa: {  	[smem:$0x3FB0] =	sst s2  }
0xb: {  	[smem:$0x3FB1] =	sst s3  }
0xc: {  	[smem:$0x3FB2] =	sst s4  }
0xd: {  	[smem:$0x3FB3] =	sst s5  }
0xe: {  	[smem:$0x3FB4] =	sst s6  }
0xf: {  	[smem:$0x3FB5] =	sst s7  }
0x10: {  	[smem:$0x3FB6] =	sst s8  }
0x11: {  	[smem:$0x3FB7] =	sst s9;
	s0 =	simm.s32 @!p0 $0x0  }
0x12: {  	s1 =	sld [smem:$0x3F9D];
	s0 =	simm.s32 @p0 $0x1  }
0x13: {  	[smem:$0x3FB8] =	sst s0;
	s0 =	simm.s32 @!p1 $0x0  }
0x14: {  	s2 =	sld [smem:$0x3F9C];
	s0 =	simm.s32 @p1 $0x1  }
0x15: {  	[smem:$0x3FB9] =	sst s0;
	s0 =	simm.s32 @!p2 $0x0  }
0x16: {  	s3 =	sld [smem:$0x3FDB];
	s0 =	simm.s32 @p2 $0x1  }
0x17: {  	s4 =	simm.s32 $0x1BF5;
	[smem:$0x3FBB] =	sst s0  }
0x18: {  	s0 =	sld [smem:$0x3F9E];
	_ =	swait.ge [sflag:s4], $0x0  }
0x19: {  	s7 =	sld [smem:$0x3F9F]  }
0x1a: {  	s8 =	sadd.s32 $0xFFFFE003, lr  }
0x1b: {  	s9 =	sadd.s32 $0xFFFFFEF7, lr;
	s5 =	simm.s32 $0xFFFFFFFF;
	p2 =	slt.u32 s8, $0xFFFFF086  }
0x1c: {  	p1 =	slt.u32 s9, $0xF7A;
	s5 =	simm.s32 @!p2 $0x0  }
0x1d: {  	s5 =	simm.s32 @p1 $0x1;
	p0 =	seq.s32 s7, s2  }
0x1e: {  	s7 =	smul.u32 @!p0 $0xF7A, s2;
	p2 =	seq.s32 @!p0 s5, $0x0  }
0x1f: {  	s9 =	smul.u32 $0xF7A, s1;
	s8 =	simm.s32 @!p0 $0x1BF5;
	p2 =	por !p2, p0  }
0x20: {  	[sflag:s8] =	ssyncset.s32 @!p0 $0xFFFFF086;
	s6 =	sadd.s32 @!p0 s3, s7;
	s7 =	simm.s32 @!p0 $0x108  }
0x21: {  	s3 =	sadd.s32 s3, s9;
	s6 =	sadd.s32 @!p0 $0x88, s6;
	s7 =	simm.s32 @p2 $0x1082  }
0x22: {  	[simem:s7], [sflag:s8] =	dma.local @!p0 [hbm:s6], $0xF7A  }
0x23: {  	s9 =	sor.u32 $0xD0000000, s2;
	s6 =	simm.s32 $0x108;
	_ =	swait.ge @!p0 [sflag:s8], $0x0  }
0x24: {  	s3 =	sadd.s32 $0x88, s3;
	s6 =	simm.s32 @!p1 $0x1082;
	[sflag:s4] =	ssyncset.s32 $0xFFFFF086  }
0x25: {  	[simem:s6], [sflag:s4] =	dma.local [hbm:s3], $0xF7A  }
0x26: {  	[smem:$0x3F9F] =	sst s1;
	(tag) =	ssettag s2;
	_ =	strace s9  }
0x27: {  	s1 =	sld [smem:$0x3FAF]  }
0x28: {  	s2 =	sld [smem:$0x3FB0]  }
0x29: {  	s4 =	sld [smem:$0x3FB2]  }
0x2a: {  	p0 =	seq.s32 s5, $0x0;
	s5 =	sld [smem:$0x3FB3]  }
0x2b: {  	s6 =	sld [smem:$0x3FB4]  }
0x2c: {  	s7 =	sld [smem:$0x3FB5]  }
0x2d: {  	s3 =	simm.s32 $0x108;
	s8 =	sld [smem:$0x3FB6]  }
0x2e: {  	s3 =	simm.s32 @!p0 $0x1082;
	s9 =	sld [smem:$0x3FB7]  }
0x2f: {  	lr =	sadd.s32 s0, s3;
	s0 =	sld [smem:$0x3FAE]  }
0x30: {  	s3 =	sld [smem:$0x3FB1]  }
0x31: {  	[smem:$0x3FBA] =	sst s10  }
0x32: {  	s10 =	sld [smem:$0x3FB8];
	_ =	sdelay $0x3  }
0x33: {  	p0 =	seq.s32 s10, $0x1;
	s10 =	sld [smem:$0x3FBA];
	_ =	sdelay $0x3  }
0x34: {  	[smem:$0x3FBA] =	sst s10  }
0x35: {  	s10 =	sld [smem:$0x3FB9];
	_ =	sdelay $0x3  }
0x36: {  	p1 =	seq.s32 s10, $0x1;
	s10 =	sld [smem:$0x3FBA];
	_ =	sdelay $0x3  }
0x37: {  	[smem:$0x3FBA] =	sst s10  }
0x38: {  	s10 =	sld [smem:$0x3FBB]  }
0x39: {  	_ = 	snop;
	(pc) =	sbr.ind lr, $3  }
0x3a: {  	_ = 	snop  }
0x3b: {  	_ = 	snop  }
0x3c: {  	p2 =	seq.s32 s10, $0x1;
	s10 =	sld [smem:$0x3FBA]  }
0x3d: {  	_ =	shalt  }
0x3e: {  	_ =	shalt  }
0x3f: {  	_ =	shalt  }
0x40: {  	_ =	shalt  }
0x41: {  	_ =	shalt  }
0x42: {  	_ =	shalt  }
0x43: {  	_ =	shalt  }
0x44: {  	_ =	shalt  }
0x45: {  	_ =	shalt  }
0x46: {  	_ =	shalt  }
0x47: {  	_ =	shalt  }
0x48: {  	_ =	shalt  }
0x49: {  	_ =	shalt  }
0x4a: {  	_ =	shalt  }
0x4b: {  	_ =	shalt  }
0x4c: {  	_ =	shalt  }
0x4d: {  	_ =	shalt  }
0x4e: {  	_ =	shalt  }
0x4f: {  	_ =	shalt  }
0x50: {  	_ =	shalt  }
0x51: {  	_ =	shalt  }
0x52: {  	_ =	shalt  }
0x53: {  	_ =	shalt  }
0x54: {  	_ =	shalt  }
0x55: {  	_ =	shalt  }
0x56: {  	_ =	shalt  }
0x57: {  	_ =	shalt  }
0x58: {  	_ =	shalt  }
0x59: {  	_ =	shalt  }
0x5a: {  	_ =	shalt  }
0x5b: {  	_ =	shalt  }
0x5c: {  	_ =	shalt  }
0x5d: {  	_ =	shalt  }
0x5e: {  	_ =	shalt  }
0x5f: {  	_ =	shalt  }
0x60: {  	_ =	shalt  }
0x61: {  	_ =	shalt  }
0x62: {  	_ =	shalt  }
0x63: {  	_ =	shalt  }
0x64: {  	_ =	shalt  }
0x65: {  	_ =	shalt  }
0x66: {  	_ =	shalt  }
0x67: {  	_ =	shalt  }
0x68: {  	_ =	shalt  }
0x69: {  	_ =	shalt  }
0x6a: {  	_ =	shalt  }
0x6b: {  	_ =	shalt  }
0x6c: {  	_ =	shalt  }
0x6d: {  	_ =	shalt  }
0x6e: {  	_ =	shalt  }
0x6f: {  	_ =	shalt  }
0x70: {  	_ =	shalt  }
0x71: {  	_ =	shalt  }
0x72: {  	_ =	shalt  }
0x73: {  	_ =	shalt  }
0x74: {  	_ =	shalt  }
0x75: {  	_ =	shalt  }
0x76: {  	_ =	shalt  }
0x77: {  	_ =	shalt  }
0x78: {  	_ =	shalt  }
0x79: {  	_ =	shalt  }
0x7a: {  	_ =	shalt  }
0x7b: {  	_ =	shalt  }
0x7c: {  	_ =	shalt  }
0x7d: {  	_ =	shalt  }
0x7e: {  	_ =	shalt  }
0x7f: {  	_ =	shalt  }
0x80: {  	_ =	shalt  }
0x81: {  	_ =	shalt  }
0x82: {  	_ =	shalt  }
0x83: {  	_ =	shalt  }
0x84: {  	_ =	shalt  }
0x85: {  	_ =	shalt  }
0x86: {  	_ =	shalt  }
0x87: {  	_ =	shalt  }
.Lfunc_end0:
.L_simem_size_0:
called_computation_lowered:
.L_overlay_start_0:
0x88: {  	s2 =	sld [smem:$0x3FD9]  }
0x89: {  	s3 =	sld [smem:$0x3FFE];
	_ =	sdelay $0x1  }
0x8a: {  	s1 =	srdreg.scid  }
0x8b: {  	s0 =	sand.u32 $0x1, s1  }
0x8c: {  	s17 =	sshll.u32 s0, $0xA;
	s2 =	sadd.s32 s3, s2  }
0x8d: {  	s2 =	sadd.s32 s2, s17  }
0x8e: {  	[smem:$0x3FC6] =	sst s2  }
0x8f: {  	_ = 	snop  }
0x90: {  	s2 =	sld [smem:$0x3FC9]  }
0x91: {  	s18 =	sld [smem:$0x3FD0];
	(tm) =	ssettm $0x1  }
0x92: {  	s4 =	sld [smem:$0x3FFB];
	_ =	sdelay $0x3  }
0x93: {  	_ =	strace s4  }
0x94: {  	s4 =	sld [smem:$0x3FFC];
	_ =	sdelay $0x3  }
0x95: {  	_ =	strace s4  }
0x96: {  	s4 =	sld [smem:$0x3FFD];
	_ =	sdelay $0x3  }
0x97: {  	_ =	strace s4  }
0x98: {  	_ =	strace $0x8FFFFFFF  }
0x99: {  	s19 =	sld [smem:$0x3FDB];
	_ =	sdelay $0x1  }
0x9a: {  	s5 =	simm.s32 $_scs_section_size  }
0x9b: {  	s6 =	simm.s32 $_size__tile_overlayer_lowered;
	s7 =	simm.s32 $_tile_overlayer_lowered  }
0x9c: {  	s22 =	simm.s32 $0x1BFF;
	s21 =	sshll.u32 s7, $0x1;
	s4 =	sadd.s32 s5, s19  }
0x9d: {  	s8 =	simm.s32 $0x0;
	s20 =	sshll.u32 s6, $0x1;
	s6 =	sadd.s32 s21, s4  }
0x9e: {  	[timem:s8], [sflag:s22] =	dma.local [hbm:s6], s20  }
0x9f: {  	_ =	swait.ge [sflag:s22], s20  }
0xa0: {  	s5 =	ssub.s32 $0x0, s20;
	[sflag:s22] =	ssyncset.done $0x0  }
0xa1: {  	[sflag:s22] =	ssyncadd.s32 s5;
	_ =	sdelay $0x1  }
0xa2: {  	s23 =	simm.s32 $0x1B8B  }
0xa3: {  	_ =	swait.ge [sflag:s23], $0x1  }
0xa4: {  	[sflag:s23] =	ssyncset.done $0x0  }
0xa5: {  	s25 =	simm.s32 $0x1B8E;
	s24 =	sld [smem:$0x3FFE];
	[sflag:s23] =	ssyncadd.s32 $0xFFFFFFFF  }
0xa6: {  	s26 =	simm.s32 $execute0_lowered;
	[smem:$0x3FD2] =	sst s25  }
0xa7: {  	s6 =	sshll.u32 s26, $0x1;
	_ =	strace $0x80000046;
	[dreg:$0x1] =	wrdreg $0xFFFFFFFF  }
0xa8: {  	s28 =	simm.s32 $_size_execute0_lowered;
	s4 =	sadd.s32 s4, s6;
	[dreg:$0x0] =	wrdreg $0x0  }
0xa9: {  	s6 =	sshll.u32 s28, $0x1;
	[dreg:$0x2] =	wrdreg s4  }
0xaa: {  	[dreg:$0x3] =	wrdreg s6  }
0xab: {  	[dreg:$0x4] =	wrdreg $0xC0  }
0xac: {  	_ =	task [dreg:s8], $0x5FFFF  }
0xad: {  	[dreg:$0x1] =	wrdreg $0xFFFFFFFF  }
0xae: {  	[dreg:$0x0] =	wrdreg $0x60  }
0xaf: {  	[dreg:$0x2] =	wrdreg s2  }
0xb0: {  	[dreg:$0x3] =	wrdreg s24  }
0xb1: {  	[dreg:$0x4] =	wrdreg s18  }
0xb2: {  	[dreg:$0x5] =	wrdreg $0x9  }
0xb3: {  	_ =	task.clear_ibuf [dreg:s8], $0x6FFFF;
	_ =	strace $0x90000046  }
0xb4: {  	s29 =	simm.s32 $0x9;
	_ =	strace $0x80000048  }
0xb5: {  	_ =	swait.ge [sflag:s29], $0x1  }
0xb6: {  	[sflag:s29] =	ssyncadd.s32 $0xFFFFFFFF  }
0xb7: {  	_ =	strace $0x90000048  }
0xb8: {  	_ =	sfence  }
0xb9: {  	s30 =	sld [smem:$0x0];
	_ =	sdelay $0x2  }
0xba: {  	s31 =	sshll.u32 s1, $0xD;
	s1 =	sshrl.u32 s1, $0x2  }
0xbb: {  	s3 =	sand.u32 $0x4000, s31;
	s1 =	sadd.s32 s1, s30  }
0xbc: {  	s0 =	sor.u32 s3, s0;
	s1 =	sshll.u32 s1, $0x11  }
0xbd: {  	s0 =	sor.u32 s1, s0  }
0xbe: {  	s0 =	sadd.s32 $0x8F2B, s0  }
0xbf: {  	[sflag:s0] =	ssyncadd.remote.s32 $0x1  }
0xc0: {  	_ =	sfence.sel $0xFFFF  }
0xc1: {  	[dreg:$0x0] =	wrdreg $0xFFFFFFFF;
	(pc) =	sbr.abs _section_cstart, $3  }
0xc2: {  	[dreg:$0x1] =	wrdreg $0xFFFFFFFF  }
0xc3: {  	_ =	task.clear_ibuf [dreg:s8], $0x2FFFF;
	_ =	strace $0x9FFFFFFF  }
0xc4: {  	(tm) =	ssettm $0x7FFFFFFF  }
0xc5: {  	_ =	shalt  }
tec
execute0_lowered:
.L_overlay_start_1:
0x0: {  	(tag) =	ssettag $0x1  }
0x1: {  	s13 =	rddreg [dreg:$0x0]  }
0x2: {  	s1 =	srdreg.scid;
	s3 =	rddreg [dreg:$0x1]  }
0x3: {  	s0 =	stileid.u32;
	s12 =	rddreg [dreg:$0x2]  }
0x4: {  	s5 =	simm.s32 $0x1;
	s2 =	simm.s32 $0x0;
	s17 =	simm.s32 $0x6300  }
0x5: {  	s18 =	simm.s32 $0x8300;
	s19 =	simm.s32 $0x2300;
	s4 =	sand.u32 $0x1, s1  }
0x6: {  	s20 =	simm.s32 $0xA300;
	s21 =	simm.s32 $0xC300;
	s1 =	sor.u32 s4, s0  }
0x7: {  	s22 =	simm.s32 $0xE300;
	p1 =	seq.s32 s4, $0x1;
	p0 =	seq.s32 s1, $0x0  }
0x8: {  	s23 =	simm.s32 $0x2;
	s24 =	simm.s32 $0x0;
	p0 =	por !p0, !p1  }
0x9: {  	[smem:$0x7FF] =	sst s2;
	s3 =	sadd.s32 $0x400, s3;
	p0 =	por !p0, !p0  }
0xa: {  	s6 =	ssub.s32 $0x2, s4;
	s9 =	sshll.u32 s4, $0x11;
	s5 =	simm.s32 @!p0 $0x0  }
0xb: {  	s4 =	simm.s32 $0x1;
	s1 =	rddreg [dreg:$0x3];
	s5 =	ssub.s32 s0, s5  }
0xc: {  	s8 =	sshrl.u32 s6, $0x1;
	s7 =	smul.u32 $0xC0000, s5;
	s5 =	sshll.u32 s5, $0x12  }
0xd: {  	_ =	strace $0x80000047;
	s6 =	ssub.s32 s6, s8;
	s14 =	sor.u32 s9, s5  }
0xe: {  	s5 =	smax.u32 s6, $0x1;
	s11 =	sor.u32 s9, s7;
	s29 =	sshrl.u32 s14, $0x3  }
0xf: {  	s14 =	sor.u32 $0x2000, s14;
	s7 =	sadd.s32 $0x80000, s11;
	s6 =	sadd.s32 s29, s13  }
0x10: {  	s30 =	sadd.s32 $0x40000, s11;
	s31 =	sshrl.u32 s11, $0x3;
	s10 =	sadd.s32 $0x82000, s11  }
0x11: {  	s15 =	sadd.s32 $0x42000, s11;
	s11 =	sor.u32 $0x2000, s11;
	s14 =	sshrl.u32 s14, $0x3  }
0x12: {  	s7 =	sshrl.u32 s7, $0x3;
	s8 =	sshrl.u32 s30, $0x3;
	s9 =	sadd.s32 s31, s12  }
0x13: {  	s10 =	sshrl.u32 s10, $0x3;
	s15 =	sshrl.u32 s15, $0x3;
	s16 =	sshrl.u32 s11, $0x3  }
0x14: {  	s13 =	sadd.s32 s14, s13;
	s14 =	simm.s32 $0x3;
	s7 =	sadd.s32 s7, s12  }
0x15: {  	s8 =	sadd.s32 s8, s12;
	s10 =	sadd.s32 s10, s12;
	s11 =	sadd.s32 s15, s12  }
0x16: {  	s12 =	sadd.s32 s16, s12;
	s15 =	simm.s32 $0x300;
	s16 =	simm.s32 $0x4300  }
.LBB2_1:
0x17: {  	[tilespmem:s2], [sflag:$0x3] =	stream.linear.gather [hbm4b:s3+s2], $0x300, $0x38;
	[tilespmem:$0x10300] =	vst v63  }
0x18: {  	_ =	swait.ge [sflag:s14], $0x300  }
0x19: {  	[sflag:s14] =	ssyncset.done $0x0  }
0x1a: {  	s25 =	sadd.s32 $0x0, s6;
	[sflag:s14] =	ssyncadd.s32 $0xFFFFFD00  }
0x1b: {  	[tilespmem:s15], [sflag:$0x3] =	stream.linear.gather [hbm4b:s25+s2], $0x2000, $0x38;
	[tilespmem:$0x10300] =	vst v63  }
0x1c: {  	_ =	swait.ge [sflag:s14], $0x2000  }
0x1d: {  	p0 =	por $0x1, $0x1;
	[sflag:s14] =	ssyncset.done $0x0  }
0x1e: {  	s25 =	simm.s32 @!p0 $0x1;
	[sflag:s14] =	ssyncadd.s32 $0xFFFFE000  }
0x1f: {  	_ =	swait.ge @!p0 [sflag:s25], $0x2000  }
0x20: {  	[sflag:s25] =	ssyncset.done @!p0 $0x0  }
0x21: {  	[sflag:s25] =	ssyncadd.s32 @!p0 $0xFFFFE000  }
0x22: {  	_ =	swait.ge @!p0 [sflag:s25], $0x2000  }
0x23: {  	[sflag:s25] =	ssyncset.done @!p0 $0x0  }
0x24: {  	[sflag:s25] =	ssyncadd.s32 @!p0 $0xFFFFE000  }
0x25: {  	_ =	swait.ge @!p0 [sflag:s25], $0x2000  }
0x26: {  	[sflag:s25] =	ssyncset.done @!p0 $0x0  }
0x27: {  	s31 =	sadd.s32 $0x0, s9;
	[sflag:s25] =	ssyncadd.s32 @!p0 $0xFFFFE000  }
0x28: {  	[hbm4b:s31+s2] =	stream.linear.scatter [tilespmem:s16], [sflag:$0x1], $0x2000, $0x38;
	[tilespmem:$0x10300] =	vst v63  }
0x29: {  	s26 =	sadd.s32 $0x0, s8  }
0x2a: {  	[hbm4b:s26+s2] =	stream.linear.scatter [tilespmem:s17], [sflag:$0x1], $0x2000, $0x38;
	[tilespmem:$0x10300] =	vst v63  }
0x2b: {  	s28 =	sadd.s32 $0x0, s7  }
0x2c: {  	[hbm4b:s28+s2] =	stream.linear.scatter [tilespmem:s18], [sflag:$0x1], $0x2000, $0x38;
	[tilespmem:$0x10300] =	vst v63  }
0x2d: {  	s29 =	sadd.s32 $0x0, s13  }
0x2e: {  	[tilespmem:s19], [sflag:$0x3] =	stream.linear.gather [hbm4b:s29+s2], $0x2000, $0x38;
	[tilespmem:$0x10300] =	vst v63  }
0x2f: {  	_ =	swait.ge [sflag:s14], $0x2000  }
0x30: {  	[sflag:s14] =	ssyncset.done $0x0  }
0x31: {  	s25 =	simm.s32 @!p0 $0x2;
	[sflag:s14] =	ssyncadd.s32 $0xFFFFE000  }
0x32: {  	_ =	swait.ge @!p0 [sflag:s25], $0x2000  }
0x33: {  	[sflag:s25] =	ssyncset.done @!p0 $0x0  }
0x34: {  	[sflag:s25] =	ssyncadd.s32 @!p0 $0xFFFFE000  }
0x35: {  	_ =	swait.ge @!p0 [sflag:s25], $0x2000  }
0x36: {  	[sflag:s25] =	ssyncset.done @!p0 $0x0  }
0x37: {  	[sflag:s25] =	ssyncadd.s32 @!p0 $0xFFFFE000  }
0x38: {  	_ =	swait.ge @!p0 [sflag:s25], $0x2000  }
0x39: {  	[sflag:s25] =	ssyncset.done @!p0 $0x0  }
0x3a: {  	s30 =	sadd.s32 $0x0, s12;
	[sflag:s25] =	ssyncadd.s32 @!p0 $0xFFFFE000  }
0x3b: {  	[hbm4b:s30+s2] =	stream.linear.scatter [tilespmem:s20], [sflag:$0x2], $0x2000, $0x38;
	[tilespmem:$0x10300] =	vst v63  }
0x3c: {  	s31 =	sadd.s32 $0x0, s11;
	s26 =	sadd.s32 $0x0, s10;
	s25 =	simm.s32 $0x800  }
0x3d: {  	[hbm4b:s31+s2] =	stream.linear.scatter [tilespmem:s21], [sflag:$0x2], $0x2000, $0x38;
	[tilespmem:$0x10300] =	vst v63  }
.LBB2_2:
0x3e: {  	[hbm4b:s26+s2] =	stream.linear.scatter [tilespmem:s22], [sflag:$0x2], $0x2000, $0x38;
	[tilespmem:$0x10300] =	vst v63  }
0x3f: {  	s28 =	sadd.s32 s25, s6;
	s26 =	smov.u32 s25;
	s25 =	sadd.s32 $0x800, s25  }
0x40: {  	[tilespmem:s15], [sflag:$0x3] =	stream.linear.gather [hbm4b:s28+s2], $0x2000, $0x38;
	[tilespmem:$0x10300] =	vst v63  }
0x41: {  	p0 =	sne.s32 s25, $0x4000;
	_ =	swait.ge [sflag:s14], $0x2000  }
0x42: {  	p1 =	seq.s32 s26, $0x0;
	[sflag:s14] =	ssyncset.done $0x0  }
0x43: {  	s28 =	simm.s32 @!p1 $0x1;
	[sflag:s14] =	ssyncadd.s32 $0xFFFFE000  }
0x44: {  	_ =	swait.ge @!p1 [sflag:s28], $0x2000  }
0x45: {  	[sflag:s28] =	ssyncset.done @!p1 $0x0  }
0x46: {  	[sflag:s28] =	ssyncadd.s32 @!p1 $0xFFFFE000  }
0x47: {  	_ =	swait.ge @!p1 [sflag:s28], $0x2000  }
0x48: {  	[sflag:s28] =	ssyncset.done @!p1 $0x0  }
0x49: {  	[sflag:s28] =	ssyncadd.s32 @!p1 $0xFFFFE000  }
0x4a: {  	_ =	swait.ge @!p1 [sflag:s28], $0x2000  }
0x4b: {  	[sflag:s28] =	ssyncset.done @!p1 $0x0  }
0x4c: {  	[sflag:s28] =	ssyncadd.s32 @!p1 $0xFFFFE000;
	s28 =	sadd.s32 s26, s9  }
0x4d: {  	[hbm4b:s28+s2] =	stream.linear.scatter [tilespmem:s16], [sflag:$0x1], $0x2000, $0x38;
	[tilespmem:$0x10300] =	vst v63  }
0x4e: {  	s28 =	sadd.s32 s26, s8  }
0x4f: {  	[hbm4b:s28+s2] =	stream.linear.scatter [tilespmem:s17], [sflag:$0x1], $0x2000, $0x38;
	[tilespmem:$0x10300] =	vst v63  }
0x50: {  	s28 =	sadd.s32 s26, s7  }
0x51: {  	[hbm4b:s28+s2] =	stream.linear.scatter [tilespmem:s18], [sflag:$0x1], $0x2000, $0x38;
	[tilespmem:$0x10300] =	vst v63  }
0x52: {  	s28 =	sadd.s32 s26, s13  }
0x53: {  	[tilespmem:s19], [sflag:$0x3] =	stream.linear.gather [hbm4b:s28+s2], $0x2000, $0x38;
	[tilespmem:$0x10300] =	vst v63  }
0x54: {  	_ =	swait.ge [sflag:s14], $0x2000  }
0x55: {  	[sflag:s14] =	ssyncset.done $0x0  }
0x56: {  	s28 =	simm.s32 @!p1 $0x2;
	[sflag:s14] =	ssyncadd.s32 $0xFFFFE000  }
0x57: {  	_ =	swait.ge @!p1 [sflag:s28], $0x2000  }
0x58: {  	[sflag:s28] =	ssyncset.done @!p1 $0x0  }
0x59: {  	[sflag:s28] =	ssyncadd.s32 @!p1 $0xFFFFE000  }
0x5a: {  	_ =	swait.ge @!p1 [sflag:s28], $0x2000  }
0x5b: {  	[sflag:s28] =	ssyncset.done @!p1 $0x0  }
0x5c: {  	[sflag:s28] =	ssyncadd.s32 @!p1 $0xFFFFE000  }
0x5d: {  	_ =	swait.ge @!p1 [sflag:s28], $0x2000  }
0x5e: {  	[sflag:s28] =	ssyncset.done @!p1 $0x0  }
.Ltmp0:
0x5f: {  	[sflag:s28] =	ssyncadd.s32 @!p1 $0xFFFFE000;
	s28 =	sadd.s32 s26, s12;
	(pc) =	sbr.rel @p0 .LBB2_2-.Ltmp0, $4  }
0x60: {  	[hbm4b:s28+s2] =	stream.linear.scatter [tilespmem:s20], [sflag:$0x2], $0x2000, $0x38;
	[tilespmem:$0x10300] =	vst v63  }
0x61: {  	s28 =	sadd.s32 s26, s11  }
0x62: {  	[hbm4b:s28+s2] =	stream.linear.scatter [tilespmem:s21], [sflag:$0x2], $0x2000, $0x38;
	[tilespmem:$0x10300] =	vst v63  }
0x63: {  	s26 =	sadd.s32 s26, s10  }
0x64: {  	[hbm4b:s26+s2] =	stream.linear.scatter [tilespmem:s22], [sflag:$0x2], $0x2000, $0x38;
	[tilespmem:$0x10300] =	vst v63  }
0x65: {  	_ =	swait.ge [sflag:s4], $0x2000  }
0x66: {  	[sflag:s4] =	ssyncset.done $0x0  }
0x67: {  	[sflag:s4] =	ssyncadd.s32 $0xFFFFE000  }
0x68: {  	_ =	swait.ge [sflag:s4], $0x2000  }
0x69: {  	[sflag:s4] =	ssyncset.done $0x0  }
0x6a: {  	[sflag:s4] =	ssyncadd.s32 $0xFFFFE000  }
0x6b: {  	_ =	swait.ge [sflag:s4], $0x2000  }
0x6c: {  	[sflag:s4] =	ssyncset.done $0x0  }
0x6d: {  	[sflag:s4] =	ssyncadd.s32 $0xFFFFE000  }
0x6e: {  	_ =	swait.ge [sflag:s23], $0x2000  }
0x6f: {  	[sflag:s23] =	ssyncset.done $0x0  }
0x70: {  	s24 =	sadd.s32 $0x1, s24;
	[sflag:s23] =	ssyncadd.s32 $0xFFFFE000  }
0x71: {  	p0 =	sne.s32 s24, s5;
	_ =	swait.ge [sflag:s23], $0x2000  }
.Ltmp1:
0x72: {  	[sflag:s23] =	ssyncset.done $0x0;
	(pc) =	sbr.rel @p0 .LBB2_1-.Ltmp1, $4  }
0x73: {  	[sflag:s23] =	ssyncadd.s32 $0xFFFFE000  }
0x74: {  	_ =	swait.ge [sflag:s23], $0x2000  }
0x75: {  	[sflag:s23] =	ssyncset.done $0x0  }
0x76: {  	[sflag:s23] =	ssyncadd.s32 $0xFFFFE000  }
0x77: {  	_ =	sfence.sel $0x180000  }
0x78: {  	[bflag:$0x0] =	sbarrier.arrive $0xFFFF  }
0x79: {  	p0 =	sne.s32 s0, $0x0;
	_ =	strace $0x90000047  }
0x7a: {  	s0 =	sadd.s32 @!p0 $0x100000, s1;
	[bflag:$0x2] =	sbarrier.arrive $0xFFFF  }
0x7b: {  	[sflag:s0] =	ssyncadd.tile.s32 @!p0 $0x1;
	_ =	shalt  }
.Lfunc_end2:
_tile_overlayer_lowered:
.L_overlay_start_2:
0x7c: {  	(tag) =	ssettag $0x2  }
0x7d: {  	s0 =	rddreg [dreg:$0x0];
	s2 =	stileid.u32  }
0x7e: {  	s1 =	rddreg [dreg:$0x1];
	p0 =	sne.s32 s2, $0x0  }
0x7f: {  	s3 =	rddreg [dreg:$0x2];
	[bflag:$0x3] =	sbarrier.arrive $0xFFFF;
	s2 =	simm.s32 @!p0 $0x1C03  }
0x80: {  	[timem:s3], [sflag:s2] =	dma.local @!p0 [hbm:s0], s1  }
0x81: {  	s0 =	simm.s32 @!p0 $0x3  }
0x82: {  	_ =	swait.ge @!p0 [sflag:s0], s1  }
0x83: {  	s1 =	ssub.s32 @!p0 $0x0, s1;
	[sflag:s0] =	ssyncset.done @!p0 $0x0  }
0x84: {  	[sflag:s0] =	ssyncadd.s32 @!p0 s1  }
0x85: {  	[bflag:$0x3] =	sbarrier.arrive $0xFFFF  }
0x86: {  	_ =	shalt  }

</sc_bundles>
